<compile_context>
chip_gen: v7x
topology: tpu7x:2x2x1
jax: 0.10.2.dev20260603
libtpu: 0.0.44.dev20260713+nightly
codegen_flags: <defaults>
</compile_context>

<pallas_src>
import functools
import jax
import jax.numpy as jnp
from jax import lax
from jax.experimental import pallas as pl
from jax.experimental.pallas import tpu as pltpu, tpu_sc as plsc

_D = 128
_NW = 32
_CHUNK = 128
_NBUF = 7


def _make_gather(batch, hist):
    n_chunks = hist
    cols = batch // _NW
    assert cols == _CHUNK
    n_outer = (n_chunks - 1) // _NBUF
    assert n_outer * _NBUF + 1 == n_chunks
    mesh = plsc.VectorSubcoreMesh(core_axis_name="c", subcore_axis_name="s")

    scratch = (
        [pltpu.VMEM((hist, cols), jnp.int32)]
        + [pltpu.VMEM((_CHUNK, _D), jnp.float32) for _ in range(_NBUF)]
        + [pltpu.SemaphoreType.DMA for _ in range(2 * _NBUF + 2)]
    )

    @functools.partial(
        pl.kernel,
        out_type=jax.ShapeDtypeStruct((hist * batch, _D), jnp.float32),
        mesh=mesh,
        scratch_types=scratch,
    )
    def gather_kernel(ids_hbm, table_hbm, out_hbm, idx_v, *rest):
        bufs = rest[:_NBUF]
        g_sems = rest[_NBUF : 2 * _NBUF]
        o_sems = rest[2 * _NBUF : 3 * _NBUF]
        i_sem0, i_sem1 = rest[3 * _NBUF :]
        wid = lax.axis_index("s") * 2 + lax.axis_index("c")
        col0 = wid * cols
        head = pltpu.async_copy(
            ids_hbm.at[pl.ds(0, 8), pl.ds(col0, cols)],
            idx_v.at[pl.ds(0, 8)],
            i_sem0,
        )
        tail = pltpu.async_copy(
            ids_hbm.at[pl.ds(8, hist - 8), pl.ds(col0, cols)],
            idx_v.at[pl.ds(8, hist - 8)],
            i_sem1,
        )
        head.wait()

        def g_start(h, b):
            pltpu.async_copy(table_hbm.at[idx_v.at[h]], bufs[b], g_sems[b])

        def g_wait(b):
            pltpu.make_async_copy(
                table_hbm.at[idx_v.at[0]], bufs[b], g_sems[b]
            ).wait()

        def o_start(h, b):
            pltpu.async_copy(
                bufs[b],
                out_hbm.at[pl.ds(h * batch + col0, _CHUNK)],
                o_sems[b],
            )

        def o_wait(b):
            pltpu.make_async_copy(
                bufs[b], out_hbm.at[pl.ds(col0, _CHUNK)], o_sems[b]
            ).wait()

        for b in range(_NBUF - 1):
            g_start(b, b)
        tail.wait()

        def outer(o, carry):
            for b in range(_NBUF):
                h = o * _NBUF + b
                g_wait(b)
                o_start(h, b)
                pb = (b - 1) % _NBUF
                nxt = h + _NBUF - 1
                if b == 0:
                    @pl.when(o > 0)
                    def _():
                        o_wait(pb)

                    g_start(nxt, pb)
                elif b <= 1:
                    o_wait(pb)
                    g_start(nxt, pb)
                else:
                    o_wait(pb)

                    @pl.when(o < n_outer - 1)
                    def _():
                        g_start(nxt, pb)

            return carry

        lax.fori_loop(0, n_outer, outer, 0)

        g_wait(0)
        o_start(n_chunks - 1, 0)

        o_wait(_NBUF - 1)
        o_wait(0)

    return gather_kernel


def kernel(ids, table):
    batch, hist = ids.shape
    ids_t = ids.T.astype(jnp.int32)
    out = _make_gather(batch, hist)(ids_t, table)
    return out.reshape(hist, batch, _D).transpose(1, 0, 2)

# --- scband reference (transcript-rebuilt; emitter-appended) ---
"""Pipeline reference for scband-net-41171556500065 (READ-ONLY COPY).

The authoritative reference and input builder live on the scoring server;
editing this copy changes nothing except your own understanding.
"""

import jax, jax.numpy as jnp
import numpy as np

NUM_NODES = 100000
EMBED_DIM = 128
BATCH = 4096
HIST = 50

def setup_inputs(seed: int = 0) -> dict:
    key = jax.random.key(seed)
    k_ids, k_tab = jax.random.split(key)
    ids = jax.random.randint(k_ids, (BATCH, HIST), 0, NUM_NODES, dtype=jnp.int64)
    # Embedding table parameter (orthogonal init approximated via normal; math of forward is identical: pure gather)
    table = jax.random.normal(k_tab, (NUM_NODES, EMBED_DIM), dtype=jnp.float32)
    return {"ids": ids, "table": table}

def reference(ids, table):
    # nn.Embedding forward == row gather from the table
    embedded_x = jnp.take(table, ids, axis=0)
    return embedded_x

if __name__ == "__main__":
    import jax
    _d = setup_inputs()
    print(jax.jit(kernel)(*tuple(_d.values())))

</pallas_src>

<mosaic_0001>
#map = affine_map<(d0, d1) -> (0, 0)>
module attributes {stable_mosaic.version = 14 : i64} {
  func.func @gather_kernel(%arg0: i32, %arg1: i32, %arg2: memref<50x4096xi32, #tpu.memory_space<hbm>>, %arg3: memref<100000x128xf32, #tpu.memory_space<hbm>>, %arg4: memref<204800x128xf32, #tpu.memory_space<hbm>>, %arg5: memref<50x128xi32, #tpu.memory_space<vmem>>, %arg6: memref<128x128xf32, #tpu.memory_space<vmem>>, %arg7: memref<128x128xf32, #tpu.memory_space<vmem>>, %arg8: memref<128x128xf32, #tpu.memory_space<vmem>>, %arg9: memref<128x128xf32, #tpu.memory_space<vmem>>, %arg10: memref<128x128xf32, #tpu.memory_space<vmem>>, %arg11: memref<128x128xf32, #tpu.memory_space<vmem>>, %arg12: memref<128x128xf32, #tpu.memory_space<vmem>>, %arg13: memref<!tpu.dma_semaphore, #tpu.memory_space<semaphore_mem>>, %arg14: memref<!tpu.dma_semaphore, #tpu.memory_space<semaphore_mem>>, %arg15: memref<!tpu.dma_semaphore, #tpu.memory_space<semaphore_mem>>, %arg16: memref<!tpu.dma_semaphore, #tpu.memory_space<semaphore_mem>>, %arg17: memref<!tpu.dma_semaphore, #tpu.memory_space<semaphore_mem>>, %arg18: memref<!tpu.dma_semaphore, #tpu.memory_space<semaphore_mem>>, %arg19: memref<!tpu.dma_semaphore, #tpu.memory_space<semaphore_mem>>, %arg20: memref<!tpu.dma_semaphore, #tpu.memory_space<semaphore_mem>>, %arg21: memref<!tpu.dma_semaphore, #tpu.memory_space<semaphore_mem>>, %arg22: memref<!tpu.dma_semaphore, #tpu.memory_space<semaphore_mem>>, %arg23: memref<!tpu.dma_semaphore, #tpu.memory_space<semaphore_mem>>, %arg24: memref<!tpu.dma_semaphore, #tpu.memory_space<semaphore_mem>>, %arg25: memref<!tpu.dma_semaphore, #tpu.memory_space<semaphore_mem>>, %arg26: memref<!tpu.dma_semaphore, #tpu.memory_space<semaphore_mem>>, %arg27: memref<!tpu.dma_semaphore, #tpu.memory_space<semaphore_mem>>, %arg28: memref<!tpu.dma_semaphore, #tpu.memory_space<semaphore_mem>>) attributes {dimension_semantics = [#tpu.dimension_semantics<core_parallel>, #tpu.dimension_semantics<subcore_parallel>], iteration_bounds = array<i64: 2, 16>, scalar_prefetch = 0 : i64, scratch_operands = 24 : i64, tpu.core_type = #tpu.core_type<sc_vector_subcore>, window_params = [{transform_indices = #map}, {transform_indices = #map}, {transform_indices = #map}]} {
    %mul3A = arith.constant 2 : i32
    %mul3A_0 = arith.muli %arg1, %mul3A : i32
    %add3A = arith.addi %mul3A_0, %arg0 : i32
    %mul3A_1 = arith.constant 128 : i32
    %mul3A_2 = arith.muli %add3A, %mul3A_1 : i32
    %dma_start3A = arith.constant 0 : i32
    %dma_start3A_3 = arith.constant 0 : i32
    %dma_start3A_4 = tpu.memref_slice %arg5[%dma_start3A, %dma_start3A_3] : memref<50x128xi32, #tpu.memory_space<vmem>> -> memref<8x128xi32, #tpu.memory_space<vmem>>
    %dma_start3A_5 = arith.constant 0 : i32
    %dma_start3A_6 = tpu.memref_slice %arg2[%dma_start3A_5, %mul3A_2] : memref<50x4096xi32, #tpu.memory_space<hbm>> -> memref<8x128xi32, #tpu.memory_space<hbm>>
    %dma_start3A_7 = arith.constant 0 : i32
    %dma_start3A_8 = arith.constant 0 : i32
    %dma_start3A_9 = tpu.memref_slice %arg5[%dma_start3A_7, %dma_start3A_8] : memref<50x128xi32, #tpu.memory_space<vmem>> -> memref<8x128xi32, #tpu.memory_space<vmem>>
    %dma_start3A_10 = arith.constant 0 : i32
    %dma_start3A_11 = tpu.memref_slice %arg2[%dma_start3A_10, %mul3A_2] : memref<50x4096xi32, #tpu.memory_space<hbm>> -> memref<8x128xi32, #tpu.memory_space<hbm>>
    tpu.enqueue_dma source(%dma_start3A_11 : memref<8x128xi32, #tpu.memory_space<hbm>>) target(%dma_start3A_9 : memref<8x128xi32, #tpu.memory_space<vmem>>) target_semaphore(%arg27 : memref<!tpu.dma_semaphore, #tpu.memory_space<semaphore_mem>>)
    %dma_start3A_12 = arith.constant 8 : i32
    %dma_start3A_13 = arith.constant 0 : i32
    %dma_start3A_14 = tpu.memref_slice %arg5[%dma_start3A_12, %dma_start3A_13] : memref<50x128xi32, #tpu.memory_space<vmem>> -> memref<42x128xi32, #tpu.memory_space<vmem>>
    %dma_start3A_15 = arith.constant 8 : i32
    %dma_start3A_16 = tpu.memref_slice %arg2[%dma_start3A_15, %mul3A_2] : memref<50x4096xi32, #tpu.memory_space<hbm>> -> memref<42x128xi32, #tpu.memory_space<hbm>>
    %dma_start3A_17 = arith.constant 8 : i32
    %dma_start3A_18 = arith.constant 0 : i32
    %dma_start3A_19 = tpu.memref_slice %arg5[%dma_start3A_17, %dma_start3A_18] : memref<50x128xi32, #tpu.memory_space<vmem>> -> memref<42x128xi32, #tpu.memory_space<vmem>>
    %dma_start3A_20 = arith.constant 8 : i32
    %dma_start3A_21 = tpu.memref_slice %arg2[%dma_start3A_20, %mul3A_2] : memref<50x4096xi32, #tpu.memory_space<hbm>> -> memref<42x128xi32, #tpu.memory_space<hbm>>
    tpu.enqueue_dma source(%dma_start3A_21 : memref<42x128xi32, #tpu.memory_space<hbm>>) target(%dma_start3A_19 : memref<42x128xi32, #tpu.memory_space<vmem>>) target_semaphore(%arg28 : memref<!tpu.dma_semaphore, #tpu.memory_space<semaphore_mem>>)
    %dma_wait3A = arith.constant 0 : i32
    %dma_wait3A_22 = arith.constant 0 : i32
    %dma_wait3A_23 = tpu.memref_slice %arg5[%dma_wait3A, %dma_wait3A_22] : memref<50x128xi32, #tpu.memory_space<vmem>> -> memref<8x128xi32, #tpu.memory_space<vmem>>
    %dma_wait3A_24 = arith.constant 0 : i32
    %dma_wait3A_25 = tpu.memref_slice %arg2[%dma_wait3A_24, %mul3A_2] : memref<50x4096xi32, #tpu.memory_space<hbm>> -> memref<8x128xi32, #tpu.memory_space<hbm>>
    %dma_wait3A_26 = arith.constant 0 : i32
    %dma_wait3A_27 = arith.constant 0 : i32
    %dma_wait3A_28 = tpu.memref_slice %arg5[%dma_wait3A_26, %dma_wait3A_27] : memref<50x128xi32, #tpu.memory_space<vmem>> -> memref<8x128xi32, #tpu.memory_space<vmem>>
    %dma_wait3A_29 = arith.constant 0 : i32
    %dma_wait3A_30 = tpu.memref_slice %arg2[%dma_wait3A_29, %mul3A_2] : memref<50x4096xi32, #tpu.memory_space<hbm>> -> memref<8x128xi32, #tpu.memory_space<hbm>>
    tpu.wait_dma2 semaphore(%arg27 : memref<!tpu.dma_semaphore, #tpu.memory_space<semaphore_mem>>) src(%dma_wait3A_30 : memref<8x128xi32, #tpu.memory_space<hbm>>) dst(%dma_wait3A_28 : memref<8x128xi32, #tpu.memory_space<vmem>>)
    %dma_start3A_31 = arith.constant 0 : i32
    %dma_start3A_32 = arith.constant 0 : i32
    %dma_start3A_33 = tpu.memref_slice %arg5[%dma_start3A_31, %dma_start3A_32] : memref<50x128xi32, #tpu.memory_space<vmem>> -> memref<1x128xi32, #tpu.memory_space<vmem>>
    %dma_start3A_34 = tpu.memref_squeeze %dma_start3A_33 : memref<1x128xi32, #tpu.memory_space<vmem>> -> memref<128xi32, #tpu.memory_space<vmem>>
    %dma_start3A_35 = arith.constant 0 : i32
    %dma_start3A_36 = arith.constant 0 : i32
    %dma_start3A_37 = tpu.memref_slice %arg3[%dma_start3A_35, %dma_start3A_36] : memref<100000x128xf32, #tpu.memory_space<hbm>> -> memref<100000x128xf32, #tpu.memory_space<hbm>>
    tpu.enqueue_indirect_dma source(%dma_start3A_37 : memref<100000x128xf32, #tpu.memory_space<hbm>>) target(%arg6 : memref<128x128xf32, #tpu.memory_space<vmem>>) offsets(%dma_start3A_34 : memref<128xi32, #tpu.memory_space<vmem>>) semaphore(%arg13 : memref<!tpu.dma_semaphore, #tpu.memory_space<semaphore_mem>>)
    %dma_start3A_38 = arith.constant 1 : i32
    %dma_start3A_39 = arith.constant 0 : i32
    %dma_start3A_40 = tpu.memref_slice %arg5[%dma_start3A_38, %dma_start3A_39] : memref<50x128xi32, #tpu.memory_space<vmem>> -> memref<1x128xi32, #tpu.memory_space<vmem>>
    %dma_start3A_41 = tpu.memref_squeeze %dma_start3A_40 : memref<1x128xi32, #tpu.memory_space<vmem>> -> memref<128xi32, #tpu.memory_space<vmem>>
    %dma_start3A_42 = arith.constant 0 : i32
    %dma_start3A_43 = arith.constant 0 : i32
    %dma_start3A_44 = tpu.memref_slice %arg3[%dma_start3A_42, %dma_start3A_43] : memref<100000x128xf32, #tpu.memory_space<hbm>> -> memref<100000x128xf32, #tpu.memory_space<hbm>>
    tpu.enqueue_indirect_dma source(%dma_start3A_44 : memref<100000x128xf32, #tpu.memory_space<hbm>>) target(%arg7 : memref<128x128xf32, #tpu.memory_space<vmem>>) offsets(%dma_start3A_41 : memref<128xi32, #tpu.memory_space<vmem>>) semaphore(%arg14 : memref<!tpu.dma_semaphore, #tpu.memory_space<semaphore_mem>>)
    %dma_start3A_45 = arith.constant 2 : i32
    %dma_start3A_46 = arith.constant 0 : i32
    %dma_start3A_47 = tpu.memref_slice %arg5[%dma_start3A_45, %dma_start3A_46] : memref<50x128xi32, #tpu.memory_space<vmem>> -> memref<1x128xi32, #tpu.memory_space<vmem>>
    %dma_start3A_48 = tpu.memref_squeeze %dma_start3A_47 : memref<1x128xi32, #tpu.memory_space<vmem>> -> memref<128xi32, #tpu.memory_space<vmem>>
    %dma_start3A_49 = arith.constant 0 : i32
    %dma_start3A_50 = arith.constant 0 : i32
    %dma_start3A_51 = tpu.memref_slice %arg3[%dma_start3A_49, %dma_start3A_50] : memref<100000x128xf32, #tpu.memory_space<hbm>> -> memref<100000x128xf32, #tpu.memory_space<hbm>>
    tpu.enqueue_indirect_dma source(%dma_start3A_51 : memref<100000x128xf32, #tpu.memory_space<hbm>>) target(%arg8 : memref<128x128xf32, #tpu.memory_space<vmem>>) offsets(%dma_start3A_48 : memref<128xi32, #tpu.memory_space<vmem>>) semaphore(%arg15 : memref<!tpu.dma_semaphore, #tpu.memory_space<semaphore_mem>>)
    %dma_start3A_52 = arith.constant 3 : i32
    %dma_start3A_53 = arith.constant 0 : i32
    %dma_start3A_54 = tpu.memref_slice %arg5[%dma_start3A_52, %dma_start3A_53] : memref<50x128xi32, #tpu.memory_space<vmem>> -> memref<1x128xi32, #tpu.memory_space<vmem>>
    %dma_start3A_55 = tpu.memref_squeeze %dma_start3A_54 : memref<1x128xi32, #tpu.memory_space<vmem>> -> memref<128xi32, #tpu.memory_space<vmem>>
    %dma_start3A_56 = arith.constant 0 : i32
    %dma_start3A_57 = arith.constant 0 : i32
    %dma_start3A_58 = tpu.memref_slice %arg3[%dma_start3A_56, %dma_start3A_57] : memref<100000x128xf32, #tpu.memory_space<hbm>> -> memref<100000x128xf32, #tpu.memory_space<hbm>>
    tpu.enqueue_indirect_dma source(%dma_start3A_58 : memref<100000x128xf32, #tpu.memory_space<hbm>>) target(%arg9 : memref<128x128xf32, #tpu.memory_space<vmem>>) offsets(%dma_start3A_55 : memref<128xi32, #tpu.memory_space<vmem>>) semaphore(%arg16 : memref<!tpu.dma_semaphore, #tpu.memory_space<semaphore_mem>>)
    %dma_start3A_59 = arith.constant 4 : i32
    %dma_start3A_60 = arith.constant 0 : i32
    %dma_start3A_61 = tpu.memref_slice %arg5[%dma_start3A_59, %dma_start3A_60] : memref<50x128xi32, #tpu.memory_space<vmem>> -> memref<1x128xi32, #tpu.memory_space<vmem>>
    %dma_start3A_62 = tpu.memref_squeeze %dma_start3A_61 : memref<1x128xi32, #tpu.memory_space<vmem>> -> memref<128xi32, #tpu.memory_space<vmem>>
    %dma_start3A_63 = arith.constant 0 : i32
    %dma_start3A_64 = arith.constant 0 : i32
    %dma_start3A_65 = tpu.memref_slice %arg3[%dma_start3A_63, %dma_start3A_64] : memref<100000x128xf32, #tpu.memory_space<hbm>> -> memref<100000x128xf32, #tpu.memory_space<hbm>>
    tpu.enqueue_indirect_dma source(%dma_start3A_65 : memref<100000x128xf32, #tpu.memory_space<hbm>>) target(%arg10 : memref<128x128xf32, #tpu.memory_space<vmem>>) offsets(%dma_start3A_62 : memref<128xi32, #tpu.memory_space<vmem>>) semaphore(%arg17 : memref<!tpu.dma_semaphore, #tpu.memory_space<semaphore_mem>>)
    %dma_start3A_66 = arith.constant 5 : i32
    %dma_start3A_67 = arith.constant 0 : i32
    %dma_start3A_68 = tpu.memref_slice %arg5[%dma_start3A_66, %dma_start3A_67] : memref<50x128xi32, #tpu.memory_space<vmem>> -> memref<1x128xi32, #tpu.memory_space<vmem>>
    %dma_start3A_69 = tpu.memref_squeeze %dma_start3A_68 : memref<1x128xi32, #tpu.memory_space<vmem>> -> memref<128xi32, #tpu.memory_space<vmem>>
    %dma_start3A_70 = arith.constant 0 : i32
    %dma_start3A_71 = arith.constant 0 : i32
    %dma_start3A_72 = tpu.memref_slice %arg3[%dma_start3A_70, %dma_start3A_71] : memref<100000x128xf32, #tpu.memory_space<hbm>> -> memref<100000x128xf32, #tpu.memory_space<hbm>>
    tpu.enqueue_indirect_dma source(%dma_start3A_72 : memref<100000x128xf32, #tpu.memory_space<hbm>>) target(%arg11 : memref<128x128xf32, #tpu.memory_space<vmem>>) offsets(%dma_start3A_69 : memref<128xi32, #tpu.memory_space<vmem>>) semaphore(%arg18 : memref<!tpu.dma_semaphore, #tpu.memory_space<semaphore_mem>>)
    %dma_wait3A_73 = arith.constant 8 : i32
    %dma_wait3A_74 = arith.constant 0 : i32
    %dma_wait3A_75 = tpu.memref_slice %arg5[%dma_wait3A_73, %dma_wait3A_74] : memref<50x128xi32, #tpu.memory_space<vmem>> -> memref<42x128xi32, #tpu.memory_space<vmem>>
    %dma_wait3A_76 = arith.constant 8 : i32
    %dma_wait3A_77 = tpu.memref_slice %arg2[%dma_wait3A_76, %mul3A_2] : memref<50x4096xi32, #tpu.memory_space<hbm>> -> memref<42x128xi32, #tpu.memory_space<hbm>>
    %dma_wait3A_78 = arith.constant 8 : i32
    %dma_wait3A_79 = arith.constant 0 : i32
    %dma_wait3A_80 = tpu.memref_slice %arg5[%dma_wait3A_78, %dma_wait3A_79] : memref<50x128xi32, #tpu.memory_space<vmem>> -> memref<42x128xi32, #tpu.memory_space<vmem>>
    %dma_wait3A_81 = arith.constant 8 : i32
    %dma_wait3A_82 = tpu.memref_slice %arg2[%dma_wait3A_81, %mul3A_2] : memref<50x4096xi32, #tpu.memory_space<hbm>> -> memref<42x128xi32, #tpu.memory_space<hbm>>
    tpu.wait_dma2 semaphore(%arg28 : memref<!tpu.dma_semaphore, #tpu.memory_space<semaphore_mem>>) src(%dma_wait3A_82 : memref<42x128xi32, #tpu.memory_space<hbm>>) dst(%dma_wait3A_80 : memref<42x128xi32, #tpu.memory_space<vmem>>)
    %scan3A = arith.constant 0 : i32
    %scan3A_83 = arith.constant 0 : i32
    %scan3A_84 = arith.constant 7 : i32
    %scan3A_85 = arith.addi %scan3A_83, %scan3A_84 : i32
    %scan3A_86 = arith.constant 1 : i32
    scf.for %scan3A_109 = %scan3A_83 to %scan3A_85 step %scan3A_86  : i32 {
      %mul3A_110 = arith.constant 7 : i32
      %mul3A_111 = arith.muli %scan3A_109, %mul3A_110 : i32
      %add3A_112 = arith.constant 0 : i32
      %add3A_113 = arith.addi %mul3A_111, %add3A_112 : i32
      %dma_wait3A_114 = arith.constant 0 : i32
      %dma_wait3A_115 = arith.constant 0 : i32
      %dma_wait3A_116 = tpu.memref_slice %arg5[%dma_wait3A_114, %dma_wait3A_115] : memref<50x128xi32, #tpu.memory_space<vmem>> -> memref<1x128xi32, #tpu.memory_space<vmem>>
      %dma_wait3A_117 = tpu.memref_squeeze %dma_wait3A_116 : memref<1x128xi32, #tpu.memory_space<vmem>> -> memref<128xi32, #tpu.memory_space<vmem>>
      %dma_wait3A_118 = arith.constant 0 : i32
      %dma_wait3A_119 = arith.constant 0 : i32
      %dma_wait3A_120 = tpu.memref_slice %arg3[%dma_wait3A_118, %dma_wait3A_119] : memref<100000x128xf32, #tpu.memory_space<hbm>> -> memref<100000x128xf32, #tpu.memory_space<hbm>>
      tpu.wait_indirect_dma semaphore(%arg13 : memref<!tpu.dma_semaphore, #tpu.memory_space<semaphore_mem>>) src(%dma_wait3A_120 : memref<100000x128xf32, #tpu.memory_space<hbm>>) dst(%arg6 : memref<128x128xf32, #tpu.memory_space<vmem>>)
      %mul3A_121 = arith.constant 4096 : i32
      %mul3A_122 = arith.muli %add3A_113, %mul3A_121 : i32
      %add3A_123 = arith.addi %mul3A_122, %mul3A_2 : i32
      %dma_start3A_124 = arith.constant 0 : i32
      %dma_start3A_125 = tpu.memref_slice %arg4[%add3A_123, %dma_start3A_124] : memref<204800x128xf32, #tpu.memory_space<hbm>> -> memref<128x128xf32, #tpu.memory_space<hbm>>
      %dma_start3A_126 = arith.constant 0 : i32
      %dma_start3A_127 = tpu.memref_slice %arg4[%add3A_123, %dma_start3A_126] : memref<204800x128xf32, #tpu.memory_space<hbm>> -> memref<128x128xf32, #tpu.memory_space<hbm>>
      tpu.enqueue_dma source(%arg6 : memref<128x128xf32, #tpu.memory_space<vmem>>) target(%dma_start3A_127 : memref<128x128xf32, #tpu.memory_space<hbm>>) target_semaphore(%arg20 : memref<!tpu.dma_semaphore, #tpu.memory_space<semaphore_mem>>)
      %add3A_128 = arith.constant 7 : i32
      %add3A_129 = arith.addi %add3A_113, %add3A_128 : i32
      %sub3A = arith.constant 1 : i32
      %sub3A_130 = arith.subi %add3A_129, %sub3A : i32
      %gt3A = arith.constant 0 : i32
      %gt3A_131 = arith.cmpi sgt, %scan3A_109, %gt3A : i32
      %convert_element_type3A = arith.extui %gt3A_131 : i1 to i32
      %cond3A = arith.constant 0 : i32
      %cond3A_132 = arith.cmpi ne, %convert_element_type3A, %cond3A : i32
      scf.if %cond3A_132 {
        %dma_wait3A_325 = arith.constant 0 : i32
        %dma_wait3A_326 = tpu.memref_slice %arg4[%mul3A_2, %dma_wait3A_325] : memref<204800x128xf32, #tpu.memory_space<hbm>> -> memref<128x128xf32, #tpu.memory_space<hbm>>
        %dma_wait3A_327 = arith.constant 0 : i32
        %dma_wait3A_328 = tpu.memref_slice %arg4[%mul3A_2, %dma_wait3A_327] : memref<204800x128xf32, #tpu.memory_space<hbm>> -> memref<128x128xf32, #tpu.memory_space<hbm>>
        tpu.wait_dma2 semaphore(%arg26 : memref<!tpu.dma_semaphore, #tpu.memory_space<semaphore_mem>>) src(%arg12 : memref<128x128xf32, #tpu.memory_space<vmem>>) dst(%dma_wait3A_328 : memref<128x128xf32, #tpu.memory_space<hbm>>)
      } else {
      }
      %dma_start3A_133 = arith.constant 0 : i32
      %dma_start3A_134 = tpu.memref_slice %arg5[%sub3A_130, %dma_start3A_133] : memref<50x128xi32, #tpu.memory_space<vmem>> -> memref<1x128xi32, #tpu.memory_space<vmem>>
      %dma_start3A_135 = tpu.memref_squeeze %dma_start3A_134 : memref<1x128xi32, #tpu.memory_space<vmem>> -> memref<128xi32, #tpu.memory_space<vmem>>
      %dma_start3A_136 = arith.constant 0 : i32
      %dma_start3A_137 = arith.constant 0 : i32
      %dma_start3A_138 = tpu.memref_slice %arg3[%dma_start3A_136, %dma_start3A_137] : memref<100000x128xf32, #tpu.memory_space<hbm>> -> memref<100000x128xf32, #tpu.memory_space<hbm>>
      tpu.enqueue_indirect_dma source(%dma_start3A_138 : memref<100000x128xf32, #tpu.memory_space<hbm>>) target(%arg12 : memref<128x128xf32, #tpu.memory_space<vmem>>) offsets(%dma_start3A_135 : memref<128xi32, #tpu.memory_space<vmem>>) semaphore(%arg19 : memref<!tpu.dma_semaphore, #tpu.memory_space<semaphore_mem>>)
      %mul3A_139 = arith.constant 7 : i32
      %mul3A_140 = arith.muli %scan3A_109, %mul3A_139 : i32
      %add3A_141 = arith.constant 1 : i32
      %add3A_142 = arith.addi %mul3A_140, %add3A_141 : i32
      %dma_wait3A_143 = arith.constant 0 : i32
      %dma_wait3A_144 = arith.constant 0 : i32
      %dma_wait3A_145 = tpu.memref_slice %arg5[%dma_wait3A_143, %dma_wait3A_144] : memref<50x128xi32, #tpu.memory_space<vmem>> -> memref<1x128xi32, #tpu.memory_space<vmem>>
      %dma_wait3A_146 = tpu.memref_squeeze %dma_wait3A_145 : memref<1x128xi32, #tpu.memory_space<vmem>> -> memref<128xi32, #tpu.memory_space<vmem>>
      %dma_wait3A_147 = arith.constant 0 : i32
      %dma_wait3A_148 = arith.constant 0 : i32
      %dma_wait3A_149 = tpu.memref_slice %arg3[%dma_wait3A_147, %dma_wait3A_148] : memref<100000x128xf32, #tpu.memory_space<hbm>> -> memref<100000x128xf32, #tpu.memory_space<hbm>>
      tpu.wait_indirect_dma semaphore(%arg14 : memref<!tpu.dma_semaphore, #tpu.memory_space<semaphore_mem>>) src(%dma_wait3A_149 : memref<100000x128xf32, #tpu.memory_space<hbm>>) dst(%arg7 : memref<128x128xf32, #tpu.memory_space<vmem>>)
      %mul3A_150 = arith.constant 4096 : i32
      %mul3A_151 = arith.muli %add3A_142, %mul3A_150 : i32
      %add3A_152 = arith.addi %mul3A_151, %mul3A_2 : i32
      %dma_start3A_153 = arith.constant 0 : i32
      %dma_start3A_154 = tpu.memref_slice %arg4[%add3A_152, %dma_start3A_153] : memref<204800x128xf32, #tpu.memory_space<hbm>> -> memref<128x128xf32, #tpu.memory_space<hbm>>
      %dma_start3A_155 = arith.constant 0 : i32
      %dma_start3A_156 = tpu.memref_slice %arg4[%add3A_152, %dma_start3A_155] : memref<204800x128xf32, #tpu.memory_space<hbm>> -> memref<128x128xf32, #tpu.memory_space<hbm>>
      tpu.enqueue_dma source(%arg7 : memref<128x128xf32, #tpu.memory_space<vmem>>) target(%dma_start3A_156 : memref<128x128xf32, #tpu.memory_space<hbm>>) target_semaphore(%arg21 : memref<!tpu.dma_semaphore, #tpu.memory_space<semaphore_mem>>)
      %add3A_157 = arith.constant 7 : i32
      %add3A_158 = arith.addi %add3A_142, %add3A_157 : i32
      %sub3A_159 = arith.constant 1 : i32
      %sub3A_160 = arith.subi %add3A_158, %sub3A_159 : i32
      %dma_wait3A_161 = arith.constant 0 : i32
      %dma_wait3A_162 = tpu.memref_slice %arg4[%mul3A_2, %dma_wait3A_161] : memref<204800x128xf32, #tpu.memory_space<hbm>> -> memref<128x128xf32, #tpu.memory_space<hbm>>
      %dma_wait3A_163 = arith.constant 0 : i32
      %dma_wait3A_164 = tpu.memref_slice %arg4[%mul3A_2, %dma_wait3A_163] : memref<204800x128xf32, #tpu.memory_space<hbm>> -> memref<128x128xf32, #tpu.memory_space<hbm>>
      tpu.wait_dma2 semaphore(%arg20 : memref<!tpu.dma_semaphore, #tpu.memory_space<semaphore_mem>>) src(%arg6 : memref<128x128xf32, #tpu.memory_space<vmem>>) dst(%dma_wait3A_164 : memref<128x128xf32, #tpu.memory_space<hbm>>)
      %dma_start3A_165 = arith.constant 0 : i32
      %dma_start3A_166 = tpu.memref_slice %arg5[%sub3A_160, %dma_start3A_165] : memref<50x128xi32, #tpu.memory_space<vmem>> -> memref<1x128xi32, #tpu.memory_space<vmem>>
      %dma_start3A_167 = tpu.memref_squeeze %dma_start3A_166 : memref<1x128xi32, #tpu.memory_space<vmem>> -> memref<128xi32, #tpu.memory_space<vmem>>
      %dma_start3A_168 = arith.constant 0 : i32
      %dma_start3A_169 = arith.constant 0 : i32
      %dma_start3A_170 = tpu.memref_slice %arg3[%dma_start3A_168, %dma_start3A_169] : memref<100000x128xf32, #tpu.memory_space<hbm>> -> memref<100000x128xf32, #tpu.memory_space<hbm>>
      tpu.enqueue_indirect_dma source(%dma_start3A_170 : memref<100000x128xf32, #tpu.memory_space<hbm>>) target(%arg6 : memref<128x128xf32, #tpu.memory_space<vmem>>) offsets(%dma_start3A_167 : memref<128xi32, #tpu.memory_space<vmem>>) semaphore(%arg13 : memref<!tpu.dma_semaphore, #tpu.memory_space<semaphore_mem>>)
      %mul3A_171 = arith.constant 7 : i32
      %mul3A_172 = arith.muli %scan3A_109, %mul3A_171 : i32
      %add3A_173 = arith.constant 2 : i32
      %add3A_174 = arith.addi %mul3A_172, %add3A_173 : i32
      %dma_wait3A_175 = arith.constant 0 : i32
      %dma_wait3A_176 = arith.constant 0 : i32
      %dma_wait3A_177 = tpu.memref_slice %arg5[%dma_wait3A_175, %dma_wait3A_176] : memref<50x128xi32, #tpu.memory_space<vmem>> -> memref<1x128xi32, #tpu.memory_space<vmem>>
      %dma_wait3A_178 = tpu.memref_squeeze %dma_wait3A_177 : memref<1x128xi32, #tpu.memory_space<vmem>> -> memref<128xi32, #tpu.memory_space<vmem>>
      %dma_wait3A_179 = arith.constant 0 : i32
      %dma_wait3A_180 = arith.constant 0 : i32
      %dma_wait3A_181 = tpu.memref_slice %arg3[%dma_wait3A_179, %dma_wait3A_180] : memref<100000x128xf32, #tpu.memory_space<hbm>> -> memref<100000x128xf32, #tpu.memory_space<hbm>>
      tpu.wait_indirect_dma semaphore(%arg15 : memref<!tpu.dma_semaphore, #tpu.memory_space<semaphore_mem>>) src(%dma_wait3A_181 : memref<100000x128xf32, #tpu.memory_space<hbm>>) dst(%arg8 : memref<128x128xf32, #tpu.memory_space<vmem>>)
      %mul3A_182 = arith.constant 4096 : i32
      %mul3A_183 = arith.muli %add3A_174, %mul3A_182 : i32
      %add3A_184 = arith.addi %mul3A_183, %mul3A_2 : i32
      %dma_start3A_185 = arith.constant 0 : i32
      %dma_start3A_186 = tpu.memref_slice %arg4[%add3A_184, %dma_start3A_185] : memref<204800x128xf32, #tpu.memory_space<hbm>> -> memref<128x128xf32, #tpu.memory_space<hbm>>
      %dma_start3A_187 = arith.constant 0 : i32
      %dma_start3A_188 = tpu.memref_slice %arg4[%add3A_184, %dma_start3A_187] : memref<204800x128xf32, #tpu.memory_space<hbm>> -> memref<128x128xf32, #tpu.memory_space<hbm>>
      tpu.enqueue_dma source(%arg8 : memref<128x128xf32, #tpu.memory_space<vmem>>) target(%dma_start3A_188 : memref<128x128xf32, #tpu.memory_space<hbm>>) target_semaphore(%arg22 : memref<!tpu.dma_semaphore, #tpu.memory_space<semaphore_mem>>)
      %add3A_189 = arith.constant 7 : i32
      %add3A_190 = arith.addi %add3A_174, %add3A_189 : i32
      %sub3A_191 = arith.constant 1 : i32
      %sub3A_192 = arith.subi %add3A_190, %sub3A_191 : i32
      %dma_wait3A_193 = arith.constant 0 : i32
      %dma_wait3A_194 = tpu.memref_slice %arg4[%mul3A_2, %dma_wait3A_193] : memref<204800x128xf32, #tpu.memory_space<hbm>> -> memref<128x128xf32, #tpu.memory_space<hbm>>
      %dma_wait3A_195 = arith.constant 0 : i32
      %dma_wait3A_196 = tpu.memref_slice %arg4[%mul3A_2, %dma_wait3A_195] : memref<204800x128xf32, #tpu.memory_space<hbm>> -> memref<128x128xf32, #tpu.memory_space<hbm>>
      tpu.wait_dma2 semaphore(%arg21 : memref<!tpu.dma_semaphore, #tpu.memory_space<semaphore_mem>>) src(%arg7 : memref<128x128xf32, #tpu.memory_space<vmem>>) dst(%dma_wait3A_196 : memref<128x128xf32, #tpu.memory_space<hbm>>)
      %lt3A = arith.constant 6 : i32
      %lt3A_197 = arith.cmpi slt, %scan3A_109, %lt3A : i32
      %convert_element_type3A_198 = arith.extui %lt3A_197 : i1 to i32
      %cond3A_199 = arith.constant 0 : i32
      %cond3A_200 = arith.cmpi ne, %convert_element_type3A_198, %cond3A_199 : i32
      scf.if %cond3A_200 {
        %dma_start3A_325 = arith.constant 0 : i32
        %dma_start3A_326 = tpu.memref_slice %arg5[%sub3A_192, %dma_start3A_325] : memref<50x128xi32, #tpu.memory_space<vmem>> -> memref<1x128xi32, #tpu.memory_space<vmem>>
        %dma_start3A_327 = tpu.memref_squeeze %dma_start3A_326 : memref<1x128xi32, #tpu.memory_space<vmem>> -> memref<128xi32, #tpu.memory_space<vmem>>
        %dma_start3A_328 = arith.constant 0 : i32
        %dma_start3A_329 = arith.constant 0 : i32
        %dma_start3A_330 = tpu.memref_slice %arg3[%dma_start3A_328, %dma_start3A_329] : memref<100000x128xf32, #tpu.memory_space<hbm>> -> memref<100000x128xf32, #tpu.memory_space<hbm>>
        tpu.enqueue_indirect_dma source(%dma_start3A_330 : memref<100000x128xf32, #tpu.memory_space<hbm>>) target(%arg7 : memref<128x128xf32, #tpu.memory_space<vmem>>) offsets(%dma_start3A_327 : memref<128xi32, #tpu.memory_space<vmem>>) semaphore(%arg14 : memref<!tpu.dma_semaphore, #tpu.memory_space<semaphore_mem>>)
      } else {
      }
      %mul3A_201 = arith.constant 7 : i32
      %mul3A_202 = arith.muli %scan3A_109, %mul3A_201 : i32
      %add3A_203 = arith.constant 3 : i32
      %add3A_204 = arith.addi %mul3A_202, %add3A_203 : i32
      %dma_wait3A_205 = arith.constant 0 : i32
      %dma_wait3A_206 = arith.constant 0 : i32
      %dma_wait3A_207 = tpu.memref_slice %arg5[%dma_wait3A_205, %dma_wait3A_206] : memref<50x128xi32, #tpu.memory_space<vmem>> -> memref<1x128xi32, #tpu.memory_space<vmem>>
      %dma_wait3A_208 = tpu.memref_squeeze %dma_wait3A_207 : memref<1x128xi32, #tpu.memory_space<vmem>> -> memref<128xi32, #tpu.memory_space<vmem>>
      %dma_wait3A_209 = arith.constant 0 : i32
      %dma_wait3A_210 = arith.constant 0 : i32
      %dma_wait3A_211 = tpu.memref_slice %arg3[%dma_wait3A_209, %dma_wait3A_210] : memref<100000x128xf32, #tpu.memory_space<hbm>> -> memref<100000x128xf32, #tpu.memory_space<hbm>>
      tpu.wait_indirect_dma semaphore(%arg16 : memref<!tpu.dma_semaphore, #tpu.memory_space<semaphore_mem>>) src(%dma_wait3A_211 : memref<100000x128xf32, #tpu.memory_space<hbm>>) dst(%arg9 : memref<128x128xf32, #tpu.memory_space<vmem>>)
      %mul3A_212 = arith.constant 4096 : i32
      %mul3A_213 = arith.muli %add3A_204, %mul3A_212 : i32
      %add3A_214 = arith.addi %mul3A_213, %mul3A_2 : i32
      %dma_start3A_215 = arith.constant 0 : i32
      %dma_start3A_216 = tpu.memref_slice %arg4[%add3A_214, %dma_start3A_215] : memref<204800x128xf32, #tpu.memory_space<hbm>> -> memref<128x128xf32, #tpu.memory_space<hbm>>
      %dma_start3A_217 = arith.constant 0 : i32
      %dma_start3A_218 = tpu.memref_slice %arg4[%add3A_214, %dma_start3A_217] : memref<204800x128xf32, #tpu.memory_space<hbm>> -> memref<128x128xf32, #tpu.memory_space<hbm>>
      tpu.enqueue_dma source(%arg9 : memref<128x128xf32, #tpu.memory_space<vmem>>) target(%dma_start3A_218 : memref<128x128xf32, #tpu.memory_space<hbm>>) target_semaphore(%arg23 : memref<!tpu.dma_semaphore, #tpu.memory_space<semaphore_mem>>)
      %add3A_219 = arith.constant 7 : i32
      %add3A_220 = arith.addi %add3A_204, %add3A_219 : i32
      %sub3A_221 = arith.constant 1 : i32
      %sub3A_222 = arith.subi %add3A_220, %sub3A_221 : i32
      %dma_wait3A_223 = arith.constant 0 : i32
      %dma_wait3A_224 = tpu.memref_slice %arg4[%mul3A_2, %dma_wait3A_223] : memref<204800x128xf32, #tpu.memory_space<hbm>> -> memref<128x128xf32, #tpu.memory_space<hbm>>
      %dma_wait3A_225 = arith.constant 0 : i32
      %dma_wait3A_226 = tpu.memref_slice %arg4[%mul3A_2, %dma_wait3A_225] : memref<204800x128xf32, #tpu.memory_space<hbm>> -> memref<128x128xf32, #tpu.memory_space<hbm>>
      tpu.wait_dma2 semaphore(%arg22 : memref<!tpu.dma_semaphore, #tpu.memory_space<semaphore_mem>>) src(%arg8 : memref<128x128xf32, #tpu.memory_space<vmem>>) dst(%dma_wait3A_226 : memref<128x128xf32, #tpu.memory_space<hbm>>)
      %lt3A_227 = arith.constant 6 : i32
      %lt3A_228 = arith.cmpi slt, %scan3A_109, %lt3A_227 : i32
      %convert_element_type3A_229 = arith.extui %lt3A_228 : i1 to i32
      %cond3A_230 = arith.constant 0 : i32
      %cond3A_231 = arith.cmpi ne, %convert_element_type3A_229, %cond3A_230 : i32
      scf.if %cond3A_231 {
        %dma_start3A_325 = arith.constant 0 : i32
        %dma_start3A_326 = tpu.memref_slice %arg5[%sub3A_222, %dma_start3A_325] : memref<50x128xi32, #tpu.memory_space<vmem>> -> memref<1x128xi32, #tpu.memory_space<vmem>>
        %dma_start3A_327 = tpu.memref_squeeze %dma_start3A_326 : memref<1x128xi32, #tpu.memory_space<vmem>> -> memref<128xi32, #tpu.memory_space<vmem>>
        %dma_start3A_328 = arith.constant 0 : i32
        %dma_start3A_329 = arith.constant 0 : i32
        %dma_start3A_330 = tpu.memref_slice %arg3[%dma_start3A_328, %dma_start3A_329] : memref<100000x128xf32, #tpu.memory_space<hbm>> -> memref<100000x128xf32, #tpu.memory_space<hbm>>
        tpu.enqueue_indirect_dma source(%dma_start3A_330 : memref<100000x128xf32, #tpu.memory_space<hbm>>) target(%arg8 : memref<128x128xf32, #tpu.memory_space<vmem>>) offsets(%dma_start3A_327 : memref<128xi32, #tpu.memory_space<vmem>>) semaphore(%arg15 : memref<!tpu.dma_semaphore, #tpu.memory_space<semaphore_mem>>)
      } else {
      }
      %mul3A_232 = arith.constant 7 : i32
      %mul3A_233 = arith.muli %scan3A_109, %mul3A_232 : i32
      %add3A_234 = arith.constant 4 : i32
      %add3A_235 = arith.addi %mul3A_233, %add3A_234 : i32
      %dma_wait3A_236 = arith.constant 0 : i32
      %dma_wait3A_237 = arith.constant 0 : i32
      %dma_wait3A_238 = tpu.memref_slice %arg5[%dma_wait3A_236, %dma_wait3A_237] : memref<50x128xi32, #tpu.memory_space<vmem>> -> memref<1x128xi32, #tpu.memory_space<vmem>>
      %dma_wait3A_239 = tpu.memref_squeeze %dma_wait3A_238 : memref<1x128xi32, #tpu.memory_space<vmem>> -> memref<128xi32, #tpu.memory_space<vmem>>
      %dma_wait3A_240 = arith.constant 0 : i32
      %dma_wait3A_241 = arith.constant 0 : i32
      %dma_wait3A_242 = tpu.memref_slice %arg3[%dma_wait3A_240, %dma_wait3A_241] : memref<100000x128xf32, #tpu.memory_space<hbm>> -> memref<100000x128xf32, #tpu.memory_space<hbm>>
      tpu.wait_indirect_dma semaphore(%arg17 : memref<!tpu.dma_semaphore, #tpu.memory_space<semaphore_mem>>) src(%dma_wait3A_242 : memref<100000x128xf32, #tpu.memory_space<hbm>>) dst(%arg10 : memref<128x128xf32, #tpu.memory_space<vmem>>)
      %mul3A_243 = arith.constant 4096 : i32
      %mul3A_244 = arith.muli %add3A_235, %mul3A_243 : i32
      %add3A_245 = arith.addi %mul3A_244, %mul3A_2 : i32
      %dma_start3A_246 = arith.constant 0 : i32
      %dma_start3A_247 = tpu.memref_slice %arg4[%add3A_245, %dma_start3A_246] : memref<204800x128xf32, #tpu.memory_space<hbm>> -> memref<128x128xf32, #tpu.memory_space<hbm>>
      %dma_start3A_248 = arith.constant 0 : i32
      %dma_start3A_249 = tpu.memref_slice %arg4[%add3A_245, %dma_start3A_248] : memref<204800x128xf32, #tpu.memory_space<hbm>> -> memref<128x128xf32, #tpu.memory_space<hbm>>
      tpu.enqueue_dma source(%arg10 : memref<128x128xf32, #tpu.memory_space<vmem>>) target(%dma_start3A_249 : memref<128x128xf32, #tpu.memory_space<hbm>>) target_semaphore(%arg24 : memref<!tpu.dma_semaphore, #tpu.memory_space<semaphore_mem>>)
      %add3A_250 = arith.constant 7 : i32
      %add3A_251 = arith.addi %add3A_235, %add3A_250 : i32
      %sub3A_252 = arith.constant 1 : i32
      %sub3A_253 = arith.subi %add3A_251, %sub3A_252 : i32
      %dma_wait3A_254 = arith.constant 0 : i32
      %dma_wait3A_255 = tpu.memref_slice %arg4[%mul3A_2, %dma_wait3A_254] : memref<204800x128xf32, #tpu.memory_space<hbm>> -> memref<128x128xf32, #tpu.memory_space<hbm>>
      %dma_wait3A_256 = arith.constant 0 : i32
      %dma_wait3A_257 = tpu.memref_slice %arg4[%mul3A_2, %dma_wait3A_256] : memref<204800x128xf32, #tpu.memory_space<hbm>> -> memref<128x128xf32, #tpu.memory_space<hbm>>
      tpu.wait_dma2 semaphore(%arg23 : memref<!tpu.dma_semaphore, #tpu.memory_space<semaphore_mem>>) src(%arg9 : memref<128x128xf32, #tpu.memory_space<vmem>>) dst(%dma_wait3A_257 : memref<128x128xf32, #tpu.memory_space<hbm>>)
      %lt3A_258 = arith.constant 6 : i32
      %lt3A_259 = arith.cmpi slt, %scan3A_109, %lt3A_258 : i32
      %convert_element_type3A_260 = arith.extui %lt3A_259 : i1 to i32
      %cond3A_261 = arith.constant 0 : i32
      %cond3A_262 = arith.cmpi ne, %convert_element_type3A_260, %cond3A_261 : i32
      scf.if %cond3A_262 {
        %dma_start3A_325 = arith.constant 0 : i32
        %dma_start3A_326 = tpu.memref_slice %arg5[%sub3A_253, %dma_start3A_325] : memref<50x128xi32, #tpu.memory_space<vmem>> -> memref<1x128xi32, #tpu.memory_space<vmem>>
        %dma_start3A_327 = tpu.memref_squeeze %dma_start3A_326 : memref<1x128xi32, #tpu.memory_space<vmem>> -> memref<128xi32, #tpu.memory_space<vmem>>
        %dma_start3A_328 = arith.constant 0 : i32
        %dma_start3A_329 = arith.constant 0 : i32
        %dma_start3A_330 = tpu.memref_slice %arg3[%dma_start3A_328, %dma_start3A_329] : memref<100000x128xf32, #tpu.memory_space<hbm>> -> memref<100000x128xf32, #tpu.memory_space<hbm>>
        tpu.enqueue_indirect_dma source(%dma_start3A_330 : memref<100000x128xf32, #tpu.memory_space<hbm>>) target(%arg9 : memref<128x128xf32, #tpu.memory_space<vmem>>) offsets(%dma_start3A_327 : memref<128xi32, #tpu.memory_space<vmem>>) semaphore(%arg16 : memref<!tpu.dma_semaphore, #tpu.memory_space<semaphore_mem>>)
      } else {
      }
      %mul3A_263 = arith.constant 7 : i32
      %mul3A_264 = arith.muli %scan3A_109, %mul3A_263 : i32
      %add3A_265 = arith.constant 5 : i32
      %add3A_266 = arith.addi %mul3A_264, %add3A_265 : i32
      %dma_wait3A_267 = arith.constant 0 : i32
      %dma_wait3A_268 = arith.constant 0 : i32
      %dma_wait3A_269 = tpu.memref_slice %arg5[%dma_wait3A_267, %dma_wait3A_268] : memref<50x128xi32, #tpu.memory_space<vmem>> -> memref<1x128xi32, #tpu.memory_space<vmem>>
      %dma_wait3A_270 = tpu.memref_squeeze %dma_wait3A_269 : memref<1x128xi32, #tpu.memory_space<vmem>> -> memref<128xi32, #tpu.memory_space<vmem>>
      %dma_wait3A_271 = arith.constant 0 : i32
      %dma_wait3A_272 = arith.constant 0 : i32
      %dma_wait3A_273 = tpu.memref_slice %arg3[%dma_wait3A_271, %dma_wait3A_272] : memref<100000x128xf32, #tpu.memory_space<hbm>> -> memref<100000x128xf32, #tpu.memory_space<hbm>>
      tpu.wait_indirect_dma semaphore(%arg18 : memref<!tpu.dma_semaphore, #tpu.memory_space<semaphore_mem>>) src(%dma_wait3A_273 : memref<100000x128xf32, #tpu.memory_space<hbm>>) dst(%arg11 : memref<128x128xf32, #tpu.memory_space<vmem>>)
      %mul3A_274 = arith.constant 4096 : i32
      %mul3A_275 = arith.muli %add3A_266, %mul3A_274 : i32
      %add3A_276 = arith.addi %mul3A_275, %mul3A_2 : i32
      %dma_start3A_277 = arith.constant 0 : i32
      %dma_start3A_278 = tpu.memref_slice %arg4[%add3A_276, %dma_start3A_277] : memref<204800x128xf32, #tpu.memory_space<hbm>> -> memref<128x128xf32, #tpu.memory_space<hbm>>
      %dma_start3A_279 = arith.constant 0 : i32
      %dma_start3A_280 = tpu.memref_slice %arg4[%add3A_276, %dma_start3A_279] : memref<204800x128xf32, #tpu.memory_space<hbm>> -> memref<128x128xf32, #tpu.memory_space<hbm>>
      tpu.enqueue_dma source(%arg11 : memref<128x128xf32, #tpu.memory_space<vmem>>) target(%dma_start3A_280 : memref<128x128xf32, #tpu.memory_space<hbm>>) target_semaphore(%arg25 : memref<!tpu.dma_semaphore, #tpu.memory_space<semaphore_mem>>)
      %add3A_281 = arith.constant 7 : i32
      %add3A_282 = arith.addi %add3A_266, %add3A_281 : i32
      %sub3A_283 = arith.constant 1 : i32
      %sub3A_284 = arith.subi %add3A_282, %sub3A_283 : i32
      %dma_wait3A_285 = arith.constant 0 : i32
      %dma_wait3A_286 = tpu.memref_slice %arg4[%mul3A_2, %dma_wait3A_285] : memref<204800x128xf32, #tpu.memory_space<hbm>> -> memref<128x128xf32, #tpu.memory_space<hbm>>
      %dma_wait3A_287 = arith.constant 0 : i32
      %dma_wait3A_288 = tpu.memref_slice %arg4[%mul3A_2, %dma_wait3A_287] : memref<204800x128xf32, #tpu.memory_space<hbm>> -> memref<128x128xf32, #tpu.memory_space<hbm>>
      tpu.wait_dma2 semaphore(%arg24 : memref<!tpu.dma_semaphore, #tpu.memory_space<semaphore_mem>>) src(%arg10 : memref<128x128xf32, #tpu.memory_space<vmem>>) dst(%dma_wait3A_288 : memref<128x128xf32, #tpu.memory_space<hbm>>)
      %lt3A_289 = arith.constant 6 : i32
      %lt3A_290 = arith.cmpi slt, %scan3A_109, %lt3A_289 : i32
      %convert_element_type3A_291 = arith.extui %lt3A_290 : i1 to i32
      %cond3A_292 = arith.constant 0 : i32
      %cond3A_293 = arith.cmpi ne, %convert_element_type3A_291, %cond3A_292 : i32
      scf.if %cond3A_293 {
        %dma_start3A_325 = arith.constant 0 : i32
        %dma_start3A_326 = tpu.memref_slice %arg5[%sub3A_284, %dma_start3A_325] : memref<50x128xi32, #tpu.memory_space<vmem>> -> memref<1x128xi32, #tpu.memory_space<vmem>>
        %dma_start3A_327 = tpu.memref_squeeze %dma_start3A_326 : memref<1x128xi32, #tpu.memory_space<vmem>> -> memref<128xi32, #tpu.memory_space<vmem>>
        %dma_start3A_328 = arith.constant 0 : i32
        %dma_start3A_329 = arith.constant 0 : i32
        %dma_start3A_330 = tpu.memref_slice %arg3[%dma_start3A_328, %dma_start3A_329] : memref<100000x128xf32, #tpu.memory_space<hbm>> -> memref<100000x128xf32, #tpu.memory_space<hbm>>
        tpu.enqueue_indirect_dma source(%dma_start3A_330 : memref<100000x128xf32, #tpu.memory_space<hbm>>) target(%arg10 : memref<128x128xf32, #tpu.memory_space<vmem>>) offsets(%dma_start3A_327 : memref<128xi32, #tpu.memory_space<vmem>>) semaphore(%arg17 : memref<!tpu.dma_semaphore, #tpu.memory_space<semaphore_mem>>)
      } else {
      }
      %mul3A_294 = arith.constant 7 : i32
      %mul3A_295 = arith.muli %scan3A_109, %mul3A_294 : i32
      %add3A_296 = arith.constant 6 : i32
      %add3A_297 = arith.addi %mul3A_295, %add3A_296 : i32
      %dma_wait3A_298 = arith.constant 0 : i32
      %dma_wait3A_299 = arith.constant 0 : i32
      %dma_wait3A_300 = tpu.memref_slice %arg5[%dma_wait3A_298, %dma_wait3A_299] : memref<50x128xi32, #tpu.memory_space<vmem>> -> memref<1x128xi32, #tpu.memory_space<vmem>>
      %dma_wait3A_301 = tpu.memref_squeeze %dma_wait3A_300 : memref<1x128xi32, #tpu.memory_space<vmem>> -> memref<128xi32, #tpu.memory_space<vmem>>
      %dma_wait3A_302 = arith.constant 0 : i32
      %dma_wait3A_303 = arith.constant 0 : i32
      %dma_wait3A_304 = tpu.memref_slice %arg3[%dma_wait3A_302, %dma_wait3A_303] : memref<100000x128xf32, #tpu.memory_space<hbm>> -> memref<100000x128xf32, #tpu.memory_space<hbm>>
      tpu.wait_indirect_dma semaphore(%arg19 : memref<!tpu.dma_semaphore, #tpu.memory_space<semaphore_mem>>) src(%dma_wait3A_304 : memref<100000x128xf32, #tpu.memory_space<hbm>>) dst(%arg12 : memref<128x128xf32, #tpu.memory_space<vmem>>)
      %mul3A_305 = arith.constant 4096 : i32
      %mul3A_306 = arith.muli %add3A_297, %mul3A_305 : i32
      %add3A_307 = arith.addi %mul3A_306, %mul3A_2 : i32
      %dma_start3A_308 = arith.constant 0 : i32
      %dma_start3A_309 = tpu.memref_slice %arg4[%add3A_307, %dma_start3A_308] : memref<204800x128xf32, #tpu.memory_space<hbm>> -> memref<128x128xf32, #tpu.memory_space<hbm>>
      %dma_start3A_310 = arith.constant 0 : i32
      %dma_start3A_311 = tpu.memref_slice %arg4[%add3A_307, %dma_start3A_310] : memref<204800x128xf32, #tpu.memory_space<hbm>> -> memref<128x128xf32, #tpu.memory_space<hbm>>
      tpu.enqueue_dma source(%arg12 : memref<128x128xf32, #tpu.memory_space<vmem>>) target(%dma_start3A_311 : memref<128x128xf32, #tpu.memory_space<hbm>>) target_semaphore(%arg26 : memref<!tpu.dma_semaphore, #tpu.memory_space<semaphore_mem>>)
      %add3A_312 = arith.constant 7 : i32
      %add3A_313 = arith.addi %add3A_297, %add3A_312 : i32
      %sub3A_314 = arith.constant 1 : i32
      %sub3A_315 = arith.subi %add3A_313, %sub3A_314 : i32
      %dma_wait3A_316 = arith.constant 0 : i32
      %dma_wait3A_317 = tpu.memref_slice %arg4[%mul3A_2, %dma_wait3A_316] : memref<204800x128xf32, #tpu.memory_space<hbm>> -> memref<128x128xf32, #tpu.memory_space<hbm>>
      %dma_wait3A_318 = arith.constant 0 : i32
      %dma_wait3A_319 = tpu.memref_slice %arg4[%mul3A_2, %dma_wait3A_318] : memref<204800x128xf32, #tpu.memory_space<hbm>> -> memref<128x128xf32, #tpu.memory_space<hbm>>
      tpu.wait_dma2 semaphore(%arg25 : memref<!tpu.dma_semaphore, #tpu.memory_space<semaphore_mem>>) src(%arg11 : memref<128x128xf32, #tpu.memory_space<vmem>>) dst(%dma_wait3A_319 : memref<128x128xf32, #tpu.memory_space<hbm>>)
      %lt3A_320 = arith.constant 6 : i32
      %lt3A_321 = arith.cmpi slt, %scan3A_109, %lt3A_320 : i32
      %convert_element_type3A_322 = arith.extui %lt3A_321 : i1 to i32
      %cond3A_323 = arith.constant 0 : i32
      %cond3A_324 = arith.cmpi ne, %convert_element_type3A_322, %cond3A_323 : i32
      scf.if %cond3A_324 {
        %dma_start3A_325 = arith.constant 0 : i32
        %dma_start3A_326 = tpu.memref_slice %arg5[%sub3A_315, %dma_start3A_325] : memref<50x128xi32, #tpu.memory_space<vmem>> -> memref<1x128xi32, #tpu.memory_space<vmem>>
        %dma_start3A_327 = tpu.memref_squeeze %dma_start3A_326 : memref<1x128xi32, #tpu.memory_space<vmem>> -> memref<128xi32, #tpu.memory_space<vmem>>
        %dma_start3A_328 = arith.constant 0 : i32
        %dma_start3A_329 = arith.constant 0 : i32
        %dma_start3A_330 = tpu.memref_slice %arg3[%dma_start3A_328, %dma_start3A_329] : memref<100000x128xf32, #tpu.memory_space<hbm>> -> memref<100000x128xf32, #tpu.memory_space<hbm>>
        tpu.enqueue_indirect_dma source(%dma_start3A_330 : memref<100000x128xf32, #tpu.memory_space<hbm>>) target(%arg11 : memref<128x128xf32, #tpu.memory_space<vmem>>) offsets(%dma_start3A_327 : memref<128xi32, #tpu.memory_space<vmem>>) semaphore(%arg18 : memref<!tpu.dma_semaphore, #tpu.memory_space<semaphore_mem>>)
      } else {
      }
    }
    %scan3A_87 = arith.constant 7 : i32
    %dma_wait3A_88 = arith.constant 0 : i32
    %dma_wait3A_89 = arith.constant 0 : i32
    %dma_wait3A_90 = tpu.memref_slice %arg5[%dma_wait3A_88, %dma_wait3A_89] : memref<50x128xi32, #tpu.memory_space<vmem>> -> memref<1x128xi32, #tpu.memory_space<vmem>>
    %dma_wait3A_91 = tpu.memref_squeeze %dma_wait3A_90 : memref<1x128xi32, #tpu.memory_space<vmem>> -> memref<128xi32, #tpu.memory_space<vmem>>
    %dma_wait3A_92 = arith.constant 0 : i32
    %dma_wait3A_93 = arith.constant 0 : i32
    %dma_wait3A_94 = tpu.memref_slice %arg3[%dma_wait3A_92, %dma_wait3A_93] : memref<100000x128xf32, #tpu.memory_space<hbm>> -> memref<100000x128xf32, #tpu.memory_space<hbm>>
    tpu.wait_indirect_dma semaphore(%arg13 : memref<!tpu.dma_semaphore, #tpu.memory_space<semaphore_mem>>) src(%dma_wait3A_94 : memref<100000x128xf32, #tpu.memory_space<hbm>>) dst(%arg6 : memref<128x128xf32, #tpu.memory_space<vmem>>)
    %add3A_95 = arith.constant 200704 : i32
    %add3A_96 = arith.addi %add3A_95, %mul3A_2 : i32
    %dma_start3A_97 = arith.constant 0 : i32
    %dma_start3A_98 = tpu.memref_slice %arg4[%add3A_96, %dma_start3A_97] : memref<204800x128xf32, #tpu.memory_space<hbm>> -> memref<128x128xf32, #tpu.memory_space<hbm>>
    %dma_start3A_99 = arith.constant 0 : i32
    %dma_start3A_100 = tpu.memref_slice %arg4[%add3A_96, %dma_start3A_99] : memref<204800x128xf32, #tpu.memory_space<hbm>> -> memref<128x128xf32, #tpu.memory_space<hbm>>
    tpu.enqueue_dma source(%arg6 : memref<128x128xf32, #tpu.memory_space<vmem>>) target(%dma_start3A_100 : memref<128x128xf32, #tpu.memory_space<hbm>>) target_semaphore(%arg20 : memref<!tpu.dma_semaphore, #tpu.memory_space<semaphore_mem>>)
    %dma_wait3A_101 = arith.constant 0 : i32
    %dma_wait3A_102 = tpu.memref_slice %arg4[%mul3A_2, %dma_wait3A_101] : memref<204800x128xf32, #tpu.memory_space<hbm>> -> memref<128x128xf32, #tpu.memory_space<hbm>>
    %dma_wait3A_103 = arith.constant 0 : i32
    %dma_wait3A_104 = tpu.memref_slice %arg4[%mul3A_2, %dma_wait3A_103] : memref<204800x128xf32, #tpu.memory_space<hbm>> -> memref<128x128xf32, #tpu.memory_space<hbm>>
    tpu.wait_dma2 semaphore(%arg26 : memref<!tpu.dma_semaphore, #tpu.memory_space<semaphore_mem>>) src(%arg12 : memref<128x128xf32, #tpu.memory_space<vmem>>) dst(%dma_wait3A_104 : memref<128x128xf32, #tpu.memory_space<hbm>>)
    %dma_wait3A_105 = arith.constant 0 : i32
    %dma_wait3A_106 = tpu.memref_slice %arg4[%mul3A_2, %dma_wait3A_105] : memref<204800x128xf32, #tpu.memory_space<hbm>> -> memref<128x128xf32, #tpu.memory_space<hbm>>
    %dma_wait3A_107 = arith.constant 0 : i32
    %dma_wait3A_108 = tpu.memref_slice %arg4[%mul3A_2, %dma_wait3A_107] : memref<204800x128xf32, #tpu.memory_space<hbm>> -> memref<128x128xf32, #tpu.memory_space<hbm>>
    tpu.wait_dma2 semaphore(%arg20 : memref<!tpu.dma_semaphore, #tpu.memory_space<semaphore_mem>>) src(%arg6 : memref<128x128xf32, #tpu.memory_space<vmem>>) dst(%dma_wait3A_108 : memref<128x128xf32, #tpu.memory_space<hbm>>)
    return
  }
}

</mosaic_0001>

<sc_bundles>
// kernel: kernel.3.cloned.1.call-start
scs
__scs_entry_jumppad:
0x0: {  	(pc) =	sbr.rel $0x88, $3  }
0x1: {  	(tag) =	ssettag $0x0;
	lr =	simm.s32 $0x1  }
0x2: {  	[smem:$0x3F9F] =	sst lr;
	_ =	strace $0xD0000000  }
0x3: {  	_ = 	snop  }
0x4: {  	_ = 	snop  }
0x5: {  	_ = 	snop  }
0x6: {  	_ = 	snop  }
0x7: {  	_ = 	snop  }
__scs_overlays_trampoline_lowered:
0x8: {  	[smem:$0x3FAE] =	sst s0  }
0x9: {  	[smem:$0x3FAF] =	sst s1  }
0xa: {  	[smem:$0x3FB0] =	sst s2  }
0xb: {  	[smem:$0x3FB1] =	sst s3  }
0xc: {  	[smem:$0x3FB2] =	sst s4  }
0xd: {  	[smem:$0x3FB3] =	sst s5  }
0xe: {  	[smem:$0x3FB4] =	sst s6  }
0xf: {  	[smem:$0x3FB5] =	sst s7  }
0x10: {  	[smem:$0x3FB6] =	sst s8  }
0x11: {  	[smem:$0x3FB7] =	sst s9;
	s0 =	simm.s32 @!p0 $0x0  }
0x12: {  	s1 =	sld [smem:$0x3F9D];
	s0 =	simm.s32 @p0 $0x1  }
0x13: {  	[smem:$0x3FB8] =	sst s0;
	s0 =	simm.s32 @!p1 $0x0  }
0x14: {  	s2 =	sld [smem:$0x3F9C];
	s0 =	simm.s32 @p1 $0x1  }
0x15: {  	[smem:$0x3FB9] =	sst s0;
	s0 =	simm.s32 @!p2 $0x0  }
0x16: {  	s3 =	sld [smem:$0x3FDB];
	s0 =	simm.s32 @p2 $0x1  }
0x17: {  	s4 =	simm.s32 $0x1BF5;
	[smem:$0x3FBB] =	sst s0  }
0x18: {  	s0 =	sld [smem:$0x3F9E];
	_ =	swait.ge [sflag:s4], $0x0  }
0x19: {  	s7 =	sld [smem:$0x3F9F]  }
0x1a: {  	s8 =	sadd.s32 $0xFFFFE003, lr  }
0x1b: {  	s9 =	sadd.s32 $0xFFFFFEF7, lr;
	s5 =	simm.s32 $0xFFFFFFFF;
	p2 =	slt.u32 s8, $0xFFFFF086  }
0x1c: {  	p1 =	slt.u32 s9, $0xF7A;
	s5 =	simm.s32 @!p2 $0x0  }
0x1d: {  	s5 =	simm.s32 @p1 $0x1;
	p0 =	seq.s32 s7, s2  }
0x1e: {  	s7 =	smul.u32 @!p0 $0xF7A, s2;
	p2 =	seq.s32 @!p0 s5, $0x0  }
0x1f: {  	s9 =	smul.u32 $0xF7A, s1;
	s8 =	simm.s32 @!p0 $0x1BF5;
	p2 =	por !p2, p0  }
0x20: {  	[sflag:s8] =	ssyncset.s32 @!p0 $0xFFFFF086;
	s6 =	sadd.s32 @!p0 s3, s7;
	s7 =	simm.s32 @!p0 $0x108  }
0x21: {  	s3 =	sadd.s32 s3, s9;
	s6 =	sadd.s32 @!p0 $0x88, s6;
	s7 =	simm.s32 @p2 $0x1082  }
0x22: {  	[simem:s7], [sflag:s8] =	dma.local @!p0 [hbm:s6], $0xF7A  }
0x23: {  	s9 =	sor.u32 $0xD0000000, s2;
	s6 =	simm.s32 $0x108;
	_ =	swait.ge @!p0 [sflag:s8], $0x0  }
0x24: {  	s3 =	sadd.s32 $0x88, s3;
	s6 =	simm.s32 @!p1 $0x1082;
	[sflag:s4] =	ssyncset.s32 $0xFFFFF086  }
0x25: {  	[simem:s6], [sflag:s4] =	dma.local [hbm:s3], $0xF7A  }
0x26: {  	[smem:$0x3F9F] =	sst s1;
	(tag) =	ssettag s2;
	_ =	strace s9  }
0x27: {  	s1 =	sld [smem:$0x3FAF]  }
0x28: {  	s2 =	sld [smem:$0x3FB0]  }
0x29: {  	s4 =	sld [smem:$0x3FB2]  }
0x2a: {  	p0 =	seq.s32 s5, $0x0;
	s5 =	sld [smem:$0x3FB3]  }
0x2b: {  	s6 =	sld [smem:$0x3FB4]  }
0x2c: {  	s7 =	sld [smem:$0x3FB5]  }
0x2d: {  	s3 =	simm.s32 $0x108;
	s8 =	sld [smem:$0x3FB6]  }
0x2e: {  	s3 =	simm.s32 @!p0 $0x1082;
	s9 =	sld [smem:$0x3FB7]  }
0x2f: {  	lr =	sadd.s32 s0, s3;
	s0 =	sld [smem:$0x3FAE]  }
0x30: {  	s3 =	sld [smem:$0x3FB1]  }
0x31: {  	[smem:$0x3FBA] =	sst s10  }
0x32: {  	s10 =	sld [smem:$0x3FB8];
	_ =	sdelay $0x3  }
0x33: {  	p0 =	seq.s32 s10, $0x1;
	s10 =	sld [smem:$0x3FBA];
	_ =	sdelay $0x3  }
0x34: {  	[smem:$0x3FBA] =	sst s10  }
0x35: {  	s10 =	sld [smem:$0x3FB9];
	_ =	sdelay $0x3  }
0x36: {  	p1 =	seq.s32 s10, $0x1;
	s10 =	sld [smem:$0x3FBA];
	_ =	sdelay $0x3  }
0x37: {  	[smem:$0x3FBA] =	sst s10  }
0x38: {  	s10 =	sld [smem:$0x3FBB]  }
0x39: {  	_ = 	snop;
	(pc) =	sbr.ind lr, $3  }
0x3a: {  	_ = 	snop  }
0x3b: {  	_ = 	snop  }
0x3c: {  	p2 =	seq.s32 s10, $0x1;
	s10 =	sld [smem:$0x3FBA]  }
0x3d: {  	_ =	shalt  }
0x3e: {  	_ =	shalt  }
0x3f: {  	_ =	shalt  }
0x40: {  	_ =	shalt  }
0x41: {  	_ =	shalt  }
0x42: {  	_ =	shalt  }
0x43: {  	_ =	shalt  }
0x44: {  	_ =	shalt  }
0x45: {  	_ =	shalt  }
0x46: {  	_ =	shalt  }
0x47: {  	_ =	shalt  }
0x48: {  	_ =	shalt  }
0x49: {  	_ =	shalt  }
0x4a: {  	_ =	shalt  }
0x4b: {  	_ =	shalt  }
0x4c: {  	_ =	shalt  }
0x4d: {  	_ =	shalt  }
0x4e: {  	_ =	shalt  }
0x4f: {  	_ =	shalt  }
0x50: {  	_ =	shalt  }
0x51: {  	_ =	shalt  }
0x52: {  	_ =	shalt  }
0x53: {  	_ =	shalt  }
0x54: {  	_ =	shalt  }
0x55: {  	_ =	shalt  }
0x56: {  	_ =	shalt  }
0x57: {  	_ =	shalt  }
0x58: {  	_ =	shalt  }
0x59: {  	_ =	shalt  }
0x5a: {  	_ =	shalt  }
0x5b: {  	_ =	shalt  }
0x5c: {  	_ =	shalt  }
0x5d: {  	_ =	shalt  }
0x5e: {  	_ =	shalt  }
0x5f: {  	_ =	shalt  }
0x60: {  	_ =	shalt  }
0x61: {  	_ =	shalt  }
0x62: {  	_ =	shalt  }
0x63: {  	_ =	shalt  }
0x64: {  	_ =	shalt  }
0x65: {  	_ =	shalt  }
0x66: {  	_ =	shalt  }
0x67: {  	_ =	shalt  }
0x68: {  	_ =	shalt  }
0x69: {  	_ =	shalt  }
0x6a: {  	_ =	shalt  }
0x6b: {  	_ =	shalt  }
0x6c: {  	_ =	shalt  }
0x6d: {  	_ =	shalt  }
0x6e: {  	_ =	shalt  }
0x6f: {  	_ =	shalt  }
0x70: {  	_ =	shalt  }
0x71: {  	_ =	shalt  }
0x72: {  	_ =	shalt  }
0x73: {  	_ =	shalt  }
0x74: {  	_ =	shalt  }
0x75: {  	_ =	shalt  }
0x76: {  	_ =	shalt  }
0x77: {  	_ =	shalt  }
0x78: {  	_ =	shalt  }
0x79: {  	_ =	shalt  }
0x7a: {  	_ =	shalt  }
0x7b: {  	_ =	shalt  }
0x7c: {  	_ =	shalt  }
0x7d: {  	_ =	shalt  }
0x7e: {  	_ =	shalt  }
0x7f: {  	_ =	shalt  }
0x80: {  	_ =	shalt  }
0x81: {  	_ =	shalt  }
0x82: {  	_ =	shalt  }
0x83: {  	_ =	shalt  }
0x84: {  	_ =	shalt  }
0x85: {  	_ =	shalt  }
0x86: {  	_ =	shalt  }
0x87: {  	_ =	shalt  }
.Lfunc_end0:
.L_simem_size_0:
called_computation_lowered:
.L_overlay_start_0:
0x88: {  	s2 =	sld [smem:$0x3FD9]  }
0x89: {  	s3 =	sld [smem:$0x3FFE];
	_ =	sdelay $0x1  }
0x8a: {  	s1 =	srdreg.scid  }
0x8b: {  	s0 =	sand.u32 $0x1, s1  }
0x8c: {  	s18 =	sshll.u32 s0, $0xA;
	s2 =	sadd.s32 s3, s2  }
0x8d: {  	s2 =	sadd.s32 s2, s18  }
0x8e: {  	[smem:$0x3FC6] =	sst s2  }
0x8f: {  	_ = 	snop  }
0x90: {  	s2 =	sld [smem:$0x3FC9]  }
0x91: {  	s19 =	sld [smem:$0x3FC8]  }
0x92: {  	s4 =	sld [smem:$0x3FD0];
	(tm) =	ssettm $0x1  }
0x93: {  	s5 =	sld [smem:$0x3FFB];
	_ =	sdelay $0x3  }
0x94: {  	_ =	strace s5  }
0x95: {  	s5 =	sld [smem:$0x3FFC];
	_ =	sdelay $0x3  }
0x96: {  	_ =	strace s5  }
0x97: {  	s5 =	sld [smem:$0x3FFD];
	_ =	sdelay $0x3  }
0x98: {  	_ =	strace s5  }
0x99: {  	_ =	strace $0x8FFFFFFF  }
0x9a: {  	s20 =	sld [smem:$0x3FDB];
	_ =	sdelay $0x1  }
0x9b: {  	s6 =	simm.s32 $_scs_section_size  }
0x9c: {  	s7 =	simm.s32 $_size__tile_overlayer_lowered;
	s8 =	simm.s32 $_tile_overlayer_lowered  }
0x9d: {  	s23 =	simm.s32 $0x1BFF;
	s22 =	sshll.u32 s8, $0x1;
	s5 =	sadd.s32 s6, s20  }
0x9e: {  	s9 =	simm.s32 $0x0;
	s21 =	sshll.u32 s7, $0x1;
	s7 =	sadd.s32 s22, s5  }
0x9f: {  	[timem:s9], [sflag:s23] =	dma.local [hbm:s7], s21  }
0xa0: {  	_ =	swait.ge [sflag:s23], s21  }
0xa1: {  	s6 =	ssub.s32 $0x0, s21;
	[sflag:s23] =	ssyncset.done $0x0  }
0xa2: {  	[sflag:s23] =	ssyncadd.s32 s6;
	_ =	sdelay $0x1  }
0xa3: {  	s24 =	simm.s32 $0x1B8B  }
0xa4: {  	_ =	swait.ge [sflag:s24], $0x1  }
0xa5: {  	[sflag:s24] =	ssyncset.done $0x0  }
0xa6: {  	s25 =	simm.s32 $0x1B8E;
	[sflag:s24] =	ssyncadd.s32 $0xFFFFFFFF  }
0xa7: {  	s26 =	simm.s32 $execute0_lowered;
	[smem:$0x3FD2] =	sst s25  }
0xa8: {  	s6 =	sshll.u32 s26, $0x1;
	_ =	strace $0x80000046;
	[dreg:$0x1] =	wrdreg $0xFFFFFFFF  }
0xa9: {  	s28 =	simm.s32 $_size_execute0_lowered;
	s5 =	sadd.s32 s5, s6;
	[dreg:$0x0] =	wrdreg $0x0  }
0xaa: {  	s6 =	sshll.u32 s28, $0x1;
	[dreg:$0x2] =	wrdreg s5  }
0xab: {  	[dreg:$0x3] =	wrdreg s6  }
0xac: {  	[dreg:$0x4] =	wrdreg $0xC0  }
0xad: {  	_ =	task [dreg:s9], $0x5FFFF  }
0xae: {  	[dreg:$0x1] =	wrdreg $0xFFFFFFFF  }
0xaf: {  	[dreg:$0x0] =	wrdreg $0x60  }
0xb0: {  	[dreg:$0x2] =	wrdreg s2  }
0xb1: {  	[dreg:$0x3] =	wrdreg s19  }
0xb2: {  	[dreg:$0x4] =	wrdreg s4  }
0xb3: {  	[dreg:$0x5] =	wrdreg $0x9  }
0xb4: {  	_ =	task.clear_ibuf [dreg:s9], $0x6FFFF;
	_ =	strace $0x90000046  }
0xb5: {  	s29 =	simm.s32 $0x9;
	_ =	strace $0x80000048  }
0xb6: {  	_ =	swait.ge [sflag:s29], $0x1  }
0xb7: {  	[sflag:s29] =	ssyncadd.s32 $0xFFFFFFFF  }
0xb8: {  	_ =	strace $0x90000048  }
0xb9: {  	_ =	sfence  }
0xba: {  	s30 =	sld [smem:$0x0];
	_ =	sdelay $0x2  }
0xbb: {  	s31 =	sshll.u32 s1, $0xD;
	s1 =	sshrl.u32 s1, $0x2  }
0xbc: {  	s3 =	sand.u32 $0x4000, s31;
	s1 =	sadd.s32 s1, s30  }
0xbd: {  	s0 =	sor.u32 s3, s0;
	s1 =	sshll.u32 s1, $0x11  }
0xbe: {  	s0 =	sor.u32 s1, s0  }
0xbf: {  	s0 =	sadd.s32 $0x8F2B, s0  }
0xc0: {  	[sflag:s0] =	ssyncadd.remote.s32 $0x1  }
0xc1: {  	_ =	sfence.sel $0xFFFF  }
0xc2: {  	[dreg:$0x0] =	wrdreg $0xFFFFFFFF;
	(pc) =	sbr.abs _section_cstart, $3  }
0xc3: {  	[dreg:$0x1] =	wrdreg $0xFFFFFFFF  }
0xc4: {  	_ =	task.clear_ibuf [dreg:s9], $0x2FFFF;
	_ =	strace $0x9FFFFFFF  }
0xc5: {  	(tm) =	ssettm $0x7FFFFFFF  }
tec
execute0_lowered:
.L_overlay_start_1:
0x0: {  	(tag) =	ssettag $0x1  }
0x1: {  	s0 =	rddreg [dreg:$0x0]  }
0x2: {  	s1 =	rddreg [dreg:$0x1]  }
0x3: {  	s2 =	rddreg [dreg:$0x2];
	s4 =	srdreg.scid  }
0x4: {  	s3 =	simm.s32 $0x0;
	s8 =	stileid.u32;
	s14 =	simm.s32 $0x80  }
0x5: {  	s15 =	simm.s32 $0x1C00;
	s16 =	simm.s32 $0x5C00;
	s18 =	simm.s32 $0x9C00  }
0x6: {  	s28 =	simm.s32 $0x19C00;
	s29 =	simm.s32 $0x2;
	s30 =	simm.s32 $0x8  }
0x7: {  	s31 =	simm.s32 $0x3;
	s10 =	simm.s32 $0xA;
	s11 =	simm.s32 $0x5  }
0x8: {  	s12 =	simm.s32 $0xB;
	s17 =	simm.s32 $0x6;
	s19 =	simm.s32 $0xC  }
0x9: {  	s4 =	sand.u32 $0x1, s4;
	[smem:$0x7FF] =	sst s3;
	s5 =	sshll.u32 s8, $0x8  }
0xa: {  	s25 =	sshll.u32 s8, $0xC;
	s6 =	sshll.u32 s4, $0x7;
	_ =	strace $0x80000047  }
0xb: {  	s7 =	ssub.s32 $0x2, s4;
	s26 =	sshll.u32 s4, $0xB;
	s5 =	sor.u32 s6, s5  }
0xc: {  	s20 =	sshrl.u32 s7, $0x1;
	s6 =	simm.s32 $0x0;
	s9 =	sadd.s32 s0, s5  }
0xd: {  	s21 =	sshll.u32 s5, $0x4;
	s22 =	ssub.s32 s7, s20;
	s20 =	simm.s32 $0xDC00  }
0xe: {  	s23 =	sadd.s32 $0x1000, s9;
	s0 =	sadd.s32 s21, s2;
	[dreg:$0x4] =	wrdreg s9  }
0xf: {  	s24 =	sadd.s32 $0x6000, s9;
	s5 =	smax.u32 s22, $0x1;
	[dreg:$0x5] =	wrdreg s23  }
.Ltmp0:
0x10: {  	s22 =	simm.s32 $0x11C00;
	[dreg:$0x6] =	wrdreg s24;
	(pc) =	sbr.rel .LBB2_1-.Ltmp0, $4  }
0x11: {  	s21 =	simm.s32 $0x7;
	s0 =	sadd.s32 $0x310000, s0;
	[dreg:$0x8] =	wrdreg s5  }
0x12: {  	s24 =	simm.s32 $0x15C00;
	[dreg:$0x7] =	wrdreg s0;
	s0 =	sadd.s32 s25, s2  }
0x13: {  	s23 =	simm.s32 $0xD;
	s2 =	simm.s32 $0x4;
	s0 =	sadd.s32 s26, s0  }
0x14: {  	s26 =	simm.s32 $0x1;
	[dreg:$0x9] =	wrdreg s0;
	s0 =	simm.s32 $0x9  }
.LBB2_4:
0x15: {  	_ =	swait.ge [sflag:s26], $0x4000  }
0x16: {  	[sflag:s26] =	ssyncset.done $0x0  }
0x17: {  	s13 =	simm.s32 $0xE;
	s4 =	rddreg [dreg:$0x7];
	[sflag:s26] =	ssyncadd.s32 $0xFFFFC000  }
0x18: {  	[hbm4b:s4+s3] =	stream.linear.scatter [tilespmem:s15], [sflag:$0x8], $0x4000, $0x38;
	[tilespmem:$0x1DC00] =	vst v63  }
0x19: {  	_ =	swait.ge [sflag:s13], $0x4000  }
0x1a: {  	[sflag:s13] =	ssyncset.done $0x0  }
0x1b: {  	[sflag:s13] =	ssyncadd.s32 $0xFFFFC000  }
0x1c: {  	_ =	swait.ge [sflag:s30], $0x4000  }
0x1d: {  	s6 =	sadd.s32 $0x1, s6;
	s25 =	rddreg [dreg:$0x8]  }
0x1e: {  	p0 =	sne.s32 s6, s25  }
.Ltmp1:
0x1f: {  	_ = 	snop;
	(pc) =	sbr.rel @!p0 .LBB2_5-.Ltmp1, $3  }
0x20: {  	_ =	sdelay $0x1  }
0x21: {  	[sflag:s30] =	ssyncset.done $0x0  }
0x22: {  	[sflag:s30] =	ssyncadd.s32 $0xFFFFC000  }
.LBB2_1:
0x23: {  	s4 =	rddreg [dreg:$0x4]  }
0x24: {  	[tilespmem:s3], [sflag:$0xF] =	stream.linear.gather [hbm4b:s4+s3], $0x400, $0x38;
	[tilespmem:$0x1DC00] =	vst v63  }
0x25: {  	s9 =	rddreg [dreg:$0x5];
	s5 =	simm.s32 $0x8000;
	s7 =	simm.s32 $0x400  }
0x26: {  	[tilespmem:s7], [sflag:$0x10] =	stream.strided.gather [hbm4b:s9+s7], $0x1400, s5, s7, $0x38;
	[tilespmem:$0x1DC00] =	vst v63  }
0x27: {  	s13 =	rddreg [dreg:$0x6];
	s25 =	simm.s32 $0x1800;
	s5 =	simm.s32 $0xF  }
0x28: {  	[tilespmem:s25], [sflag:$0x10] =	stream.linear.gather [hbm4b:s13+s3], $0x100, $0x38;
	[tilespmem:$0x1DC00] =	vst v63  }
0x29: {  	_ =	swait.ge [sflag:s5], $0x400  }
0x2a: {  	[sflag:s5] =	ssyncset.done $0x0  }
0x2b: {  	[sflag:s5] =	ssyncadd.s32 $0xFFFFFC00  }
0x2c: {  	[tilespmem:s15], [sflag:$0x1] =	stream.indirect.gather [hbm4b:s1+s14], $0x80, s3, s14, $0xb8;
	[tilespmem:$0x1DC00] =	vst v63  }
0x2d: {  	_ = 	snop  }
0x2e: {  	[tilespmem:s16], [sflag:$0x2] =	stream.indirect.gather [hbm4b:s1+s14], $0x80, s14, s14, $0xb8;
	[tilespmem:$0x1DC00] =	vst v63  }
0x2f: {  	s7 =	simm.s32 $0x100  }
0x30: {  	[tilespmem:s18], [sflag:$0x3] =	stream.indirect.gather [hbm4b:s1+s14], $0x80, s7, s14, $0xb8;
	[tilespmem:$0x1DC00] =	vst v63  }
0x31: {  	s8 =	simm.s32 $0x180  }
0x32: {  	[tilespmem:s20], [sflag:$0x4] =	stream.indirect.gather [hbm4b:s1+s14], $0x80, s8, s14, $0xb8;
	[tilespmem:$0x1DC00] =	vst v63  }
0x33: {  	s9 =	simm.s32 $0x200  }
0x34: {  	[tilespmem:s22], [sflag:$0x5] =	stream.indirect.gather [hbm4b:s1+s14], $0x80, s9, s14, $0xb8;
	[tilespmem:$0x1DC00] =	vst v63  }
0x35: {  	s13 =	simm.s32 $0x280;
	s25 =	simm.s32 $0x10  }
0x36: {  	[tilespmem:s24], [sflag:$0x6] =	stream.indirect.gather [hbm4b:s1+s14], $0x80, s13, s14, $0xb8;
	[tilespmem:$0x1DC00] =	vst v63  }
0x37: {  	_ =	swait.ge [sflag:s25], $0x1500  }
0x38: {  	[sflag:s25] =	ssyncset.done $0x0  }
0x39: {  	s8 =	simm.s32 $0x0;
	s9 =	rddreg [dreg:$0x9];
	[sflag:s25] =	ssyncadd.s32 $0xFFFFEB00  }
.LBB2_2:
0x3a: {  	_ =	swait.ge [sflag:s26], $0x4000  }
0x3b: {  	p0 =	seq.s32 s8, $0x0;
	[sflag:s26] =	ssyncset.done $0x0  }
0x3c: {  	s7 =	simm.s32 @!p0 $0xE;
	[sflag:s26] =	ssyncadd.s32 $0xFFFFC000  }
0x3d: {  	[hbm4b:s9+s3] =	stream.linear.scatter [tilespmem:s15], [sflag:$0x8], $0x4000, $0x38;
	[tilespmem:$0x1DC00] =	vst v63  }
0x3e: {  	_ =	swait.ge @!p0 [sflag:s7], $0x4000  }
0x3f: {  	s4 =	sshra.s32 s8, $0x2;
	[sflag:s7] =	ssyncset.done @!p0 $0x0  }
0x40: {  	s5 =	sadd.s32 $0x300, s4;
	[sflag:s7] =	ssyncadd.s32 @!p0 $0xFFFFC000  }
0x41: {  	[tilespmem:s28], [sflag:$0x7] =	stream.indirect.gather [hbm4b:s1+s14], $0x80, s5, s14, $0xb8;
	[tilespmem:$0x1DC00] =	vst v63  }
0x42: {  	_ =	swait.ge [sflag:s29], $0x4000  }
0x43: {  	[sflag:s29] =	ssyncset.done $0x0  }
0x44: {  	s13 =	sadd.s32 $0x10000, s9;
	[sflag:s29] =	ssyncadd.s32 $0xFFFFC000  }
0x45: {  	[hbm4b:s13+s3] =	stream.linear.scatter [tilespmem:s16], [sflag:$0x9], $0x4000, $0x38;
	[tilespmem:$0x1DC00] =	vst v63  }
0x46: {  	_ =	swait.ge [sflag:s30], $0x4000  }
0x47: {  	[sflag:s30] =	ssyncset.done $0x0  }
0x48: {  	s25 =	sadd.s32 $0x380, s4;
	[sflag:s30] =	ssyncadd.s32 $0xFFFFC000  }
0x49: {  	[tilespmem:s15], [sflag:$0x1] =	stream.indirect.gather [hbm4b:s1+s14], $0x80, s25, s14, $0xb8;
	[tilespmem:$0x1DC00] =	vst v63  }
0x4a: {  	_ =	swait.ge [sflag:s31], $0x4000  }
0x4b: {  	[sflag:s31] =	ssyncset.done $0x0  }
0x4c: {  	p0 =	seq.s32 s8, $0x5400;
	s5 =	sadd.s32 $0x20000, s9;
	[sflag:s31] =	ssyncadd.s32 $0xFFFFC000  }
0x4d: {  	[hbm4b:s5+s3] =	stream.linear.scatter [tilespmem:s18], [sflag:$0xA], $0x4000, $0x38;
	[tilespmem:$0x1DC00] =	vst v63  }
0x4e: {  	s7 =	sshra.s32 @!p0 s8, $0x2;
	_ =	swait.ge [sflag:s0], $0x4000  }
0x4f: {  	s13 =	sadd.s32 @!p0 $0x400, s7;
	[sflag:s0] =	ssyncset.done $0x0  }
0x50: {  	s25 =	simm.s32 @!p0 $0x80;
	s5 =	simm.s32 @!p0 $0x5C00;
	[sflag:s0] =	ssyncadd.s32 $0xFFFFC000  }
0x51: {  	[tilespmem:s5], [sflag:$0x2] =	stream.indirect.gather @!p0 [hbm4b:s1+s25], $0x80, s13, s25, $0xb8;
	[tilespmem:$0x1DC00] =	vst v63  }
0x52: {  	_ =	swait.ge [sflag:s2], $0x4000  }
0x53: {  	[sflag:s2] =	ssyncset.done $0x0  }
0x54: {  	s13 =	sadd.s32 $0x30000, s9;
	[sflag:s2] =	ssyncadd.s32 $0xFFFFC000  }
0x55: {  	[hbm4b:s13+s3] =	stream.linear.scatter [tilespmem:s20], [sflag:$0xB], $0x4000, $0x38;
	[tilespmem:$0x1DC00] =	vst v63  }
0x56: {  	_ =	swait.ge [sflag:s10], $0x4000  }
0x57: {  	[sflag:s10] =	ssyncset.done $0x0  }
0x58: {  	s5 =	sadd.s32 @!p0 $0x480, s7;
	s13 =	simm.s32 @!p0 $0x9C00;
	[sflag:s10] =	ssyncadd.s32 $0xFFFFC000  }
0x59: {  	[tilespmem:s13], [sflag:$0x3] =	stream.indirect.gather @!p0 [hbm4b:s1+s25], $0x80, s5, s25, $0xb8;
	[tilespmem:$0x1DC00] =	vst v63  }
0x5a: {  	_ =	swait.ge [sflag:s11], $0x4000  }
0x5b: {  	[sflag:s11] =	ssyncset.done $0x0  }
0x5c: {  	s13 =	sadd.s32 $0x40000, s9;
	[sflag:s11] =	ssyncadd.s32 $0xFFFFC000  }
0x5d: {  	[hbm4b:s13+s3] =	stream.linear.scatter [tilespmem:s22], [sflag:$0xC], $0x4000, $0x38;
	[tilespmem:$0x1DC00] =	vst v63  }
0x5e: {  	_ =	swait.ge [sflag:s12], $0x4000  }
0x5f: {  	[sflag:s12] =	ssyncset.done $0x0  }
0x60: {  	s5 =	sadd.s32 @!p0 $0x500, s7;
	s13 =	simm.s32 @!p0 $0xDC00;
	[sflag:s12] =	ssyncadd.s32 $0xFFFFC000  }
0x61: {  	[tilespmem:s13], [sflag:$0x4] =	stream.indirect.gather @!p0 [hbm4b:s1+s25], $0x80, s5, s25, $0xb8;
	[tilespmem:$0x1DC00] =	vst v63  }
0x62: {  	_ =	swait.ge [sflag:s17], $0x4000  }
0x63: {  	[sflag:s17] =	ssyncset.done $0x0  }
0x64: {  	s13 =	sadd.s32 $0x50000, s9;
	[sflag:s17] =	ssyncadd.s32 $0xFFFFC000  }
0x65: {  	[hbm4b:s13+s3] =	stream.linear.scatter [tilespmem:s24], [sflag:$0xD], $0x4000, $0x38;
	[tilespmem:$0x1DC00] =	vst v63  }
0x66: {  	_ =	swait.ge [sflag:s19], $0x4000  }
0x67: {  	[sflag:s19] =	ssyncset.done $0x0  }
0x68: {  	s5 =	sadd.s32 @!p0 $0x580, s7;
	s7 =	simm.s32 @!p0 $0x11C00;
	[sflag:s19] =	ssyncadd.s32 $0xFFFFC000  }
0x69: {  	[tilespmem:s7], [sflag:$0x5] =	stream.indirect.gather @!p0 [hbm4b:s1+s25], $0x80, s5, s25, $0xb8;
	[tilespmem:$0x1DC00] =	vst v63  }
0x6a: {  	_ =	swait.ge [sflag:s21], $0x4000  }
0x6b: {  	[sflag:s21] =	ssyncset.done $0x0  }
.Ltmp2:
0x6c: {  	s25 =	sadd.s32 $0x60000, s9;
	[sflag:s21] =	ssyncadd.s32 $0xFFFFC000;
	(pc) =	sbr.rel @p0 .LBB2_4-.Ltmp2, $4  }
0x6d: {  	[hbm4b:s25+s3] =	stream.linear.scatter [tilespmem:s28], [sflag:$0xE], $0x4000, $0x38;
	[tilespmem:$0x1DC00] =	vst v63  }
0x6e: {  	_ =	swait.ge [sflag:s23], $0x4000  }
0x6f: {  	[sflag:s23] =	ssyncset.done $0x0  }
0x70: {  	[sflag:s23] =	ssyncadd.s32 $0xFFFFC000  }
.Ltmp3:
0x71: {  	(pc) =	sbr.rel .LBB2_2-.Ltmp3, $3  }
0x72: {  	_ =	sdelay $0x1  }
0x73: {  	s4 =	sadd.s32 $0x600, s4;
	s8 =	sadd.s32 $0xE00, s8;
	s9 =	sadd.s32 $0x70000, s9  }
0x74: {  	[tilespmem:s24], [sflag:$0x6] =	stream.indirect.gather [hbm4b:s1+s14], $0x80, s4, s14, $0xb8;
	[tilespmem:$0x1DC00] =	vst v63  }
.LBB2_5:
0x75: {  	_ =	sfence.sel $0x180000  }
0x76: {  	[bflag:$0x0] =	sbarrier.arrive $0xFFFF  }
0x77: {  	_ =	strace $0x90000047  }
0x78: {  	s0 =	stileid.u32;
	[bflag:$0x2] =	sbarrier.arrive $0xFFFF  }
0x79: {  	p0 =	sne.s32 s0, $0x0;
	s0 =	rddreg [dreg:$0x3]  }
0x7a: {  	s0 =	sadd.s32 @!p0 $0x100000, s0  }
0x7b: {  	[sflag:s0] =	ssyncadd.tile.s32 @!p0 $0x1;
	_ =	shalt  }
.Lfunc_end2:
_tile_overlayer_lowered:
.L_overlay_start_2:
0x7c: {  	(tag) =	ssettag $0x2  }
0x7d: {  	s0 =	rddreg [dreg:$0x0];
	s2 =	stileid.u32  }
0x7e: {  	s1 =	rddreg [dreg:$0x1];
	p0 =	sne.s32 s2, $0x0  }
0x7f: {  	s3 =	rddreg [dreg:$0x2];
	[bflag:$0x3] =	sbarrier.arrive $0xFFFF;
	s2 =	simm.s32 @!p0 $0x1C11  }
0x80: {  	[timem:s3], [sflag:s2] =	dma.local @!p0 [hbm:s0], s1  }
0x81: {  	s0 =	simm.s32 @!p0 $0x11  }
0x82: {  	_ =	swait.ge @!p0 [sflag:s0], s1  }
0x83: {  	s1 =	ssub.s32 @!p0 $0x0, s1;
	[sflag:s0] =	ssyncset.done @!p0 $0x0  }
0x84: {  	[sflag:s0] =	ssyncadd.s32 @!p0 s1  }
0x85: {  	[bflag:$0x3] =	sbarrier.arrive $0xFFFF  }
0x86: {  	_ =	shalt  }

</sc_bundles>
